<compile_context>
chip_gen: v7x
topology: tpu7x:2x2x1
jax: 0.10.2.dev20260603
libtpu: 0.0.44.dev20260713+nightly
codegen_flags: <defaults>
</compile_context>

<pallas_src>
import functools

import jax
import jax.numpy as jnp
from jax import lax
from jax.experimental import pallas as pl
from jax.experimental.pallas import tpu as pltpu
from jax.experimental.pallas import tpu_sc as plsc

_NC, _NS, _L = 2, 16, 16
_NW = _NC * _NS


def _ig_sc_kernel(cg_hbm, tab_hbm, out_hbm, idx_v, rows_v, sem):
    G = cg_hbm.shape[0]
    bpw = G // _NW
    wid = lax.axis_index("s") * _NC + lax.axis_index("c")
    base = wid * bpw
    pltpu.sync_copy(cg_hbm.at[pl.ds(base, bpw)], idx_v)
    pltpu.sync_copy(rows_v, out_hbm.at[pl.ds(base, bpw)])


def _ig_lookup(current_genes, ig_table):
    G = current_genes.shape[0]
    V = ig_table.shape[0]
    bpw = G // _NW
    mesh = plsc.VectorSubcoreMesh(core_axis_name="c", subcore_axis_name="s")
    return functools.partial(
        pl.kernel,
        mesh=mesh,
        out_type=jax.ShapeDtypeStruct((G,), jnp.float32),
        scratch_types=[
            pltpu.VMEM((bpw,), jnp.int32),
            pltpu.VMEM((bpw,), jnp.float32),
            pltpu.SemaphoreType.DMA,
        ],
    )(_ig_sc_kernel)(current_genes, ig_table)


def _mil_tc_kernel(dr_ref, dc_ref, ge_ref, ig_ref, sc_ref, out_ref):
    N = dc_ref.shape[1]

    sc = sc_ref[...]
    ea = jnp.exp(sc[0, 0])
    eb = jnp.exp(sc[0, 1])
    eal = jnp.exp(sc[0, 2])
    bet = sc[0, 3]

    e = jnp.exp(-eb * ge_ref[0])
    se = jnp.sum(e, axis=1, keepdims=True)
    swe = jnp.sum(e * ig_ref[...], axis=1, keepdims=True)
    z = swe / se

    zr = -ea * dr_ref[0]
    zc = -ea * dc_ref[0]
    Zj = jnp.broadcast_to(zr, (N, N))
    M = (Zj >= zc).astype(jnp.float32)
    c = jnp.sum(M, axis=1, keepdims=True)
    s = jnp.sum(M * Zj, axis=1, keepdims=True)
    valid = c * zc > s - 1.0
    k = jnp.max(jnp.where(valid, c, 0.0))
    S = jnp.max(jnp.where(valid & (c >= k), s, -jnp.inf))
    tau = (S - 1.0) / k
    p = jnp.maximum(zc - tau, 0.0)
    bag = jnp.sum(p * z)
    res = jax.nn.sigmoid(eal * bag + bet)
    out_ref[...] = jnp.broadcast_to(res, (1, 1, 1))


def kernel(distances, gene_expressions, current_genes, a, b, ig_table, alpha, beta):
    B, N, G = gene_expressions.shape
    ig = _ig_lookup(current_genes, ig_table).reshape(1, G)
    d_row = distances.reshape(B, 1, N)
    d_col = distances
    scal = jnp.stack([a, b, alpha, beta]).reshape(1, 4).astype(jnp.float32)
    out = pl.pallas_call(
        _mil_tc_kernel,
        grid=(B,),
        in_specs=[
            pl.BlockSpec((1, 1, N), lambda i: (i, 0, 0)),
            pl.BlockSpec((1, N, 1), lambda i: (i, 0, 0)),
            pl.BlockSpec((1, N, G), lambda i: (i, 0, 0)),
            pl.BlockSpec((1, G), lambda i: (0, 0)),
            pl.BlockSpec((1, 4), lambda i: (0, 0)),
        ],
        out_specs=pl.BlockSpec((1, 1, 1), lambda i: (i, 0, 0)),
        out_shape=jax.ShapeDtypeStruct((B, 1, 1), jnp.float32),
    )(d_row, d_col, gene_expressions, ig, scal)
    return out.reshape(B)

# --- scband reference (transcript-rebuilt; emitter-appended) ---
"""Pipeline reference for scband-mil-10960756539947 (READ-ONLY COPY).

The authoritative reference and input builder live on the scoring server;
editing this copy changes nothing except your own understanding.
"""

import jax, jax.numpy as jnp
import numpy as np

NUM_BAGS = 16
NUM_INST = 256
NUM_CUR_GENES = 4096
VOCAB = 128

def sparsemax(z, axis):
    n = z.shape[axis]
    z_sorted = -jnp.sort(-z, axis=axis)
    z_cum = jnp.cumsum(z_sorted, axis=axis)
    shape = [1] * z.ndim
    shape[axis] = n
    rng = jnp.arange(1, n + 1, dtype=z.dtype).reshape(shape)
    support = rng * z_sorted > (z_cum - 1.0)
    k = jnp.sum(support.astype(jnp.int32), axis=axis, keepdims=True)
    z_cum_k = jnp.take_along_axis(z_cum, k - 1, axis=axis)
    tau = (z_cum_k - 1.0) / k.astype(z.dtype)
    return jnp.maximum(z - tau, 0.0)

def setup_inputs(seed: int = 0) -> dict:
    key = jax.random.key(seed)
    k1, k2, k3 = jax.random.split(key, 3)
    distances = jax.random.uniform(k1, (NUM_BAGS, NUM_INST, 1), dtype=jnp.float32)
    gene_expressions = jax.random.normal(k2, (NUM_BAGS, NUM_INST, NUM_CUR_GENES), dtype=jnp.float32)
    current_genes = jax.random.randint(k3, (NUM_CUR_GENES,), 0, VOCAB, dtype=jnp.int32)
    a = jnp.asarray(1.0, dtype=jnp.float32)
    b = jnp.asarray(1.0, dtype=jnp.float32)
    ig_table = jnp.full((VOCAB,), -1.0, dtype=jnp.float32)
    alpha = jnp.asarray(1.0, dtype=jnp.float32)
    beta = jnp.asarray(1.0, dtype=jnp.float32)
    return {"distances": distances, "gene_expressions": gene_expressions, "current_genes": current_genes, "a": a, "b": b, "ig_table": ig_table, "alpha": alpha, "beta": beta}

def reference(distances, gene_expressions, current_genes, a, b, ig_table, alpha, beta):
    # Distance: sparsemax(-exp(a) * x) along instance dim (dim=0 per bag -> axis=1 batched)
    d = sparsemax(-jnp.exp(a) * distances, axis=1)  # [B, N, 1]
    # Gene_expression: softmax(-exp(b) * x) along last dim
    ge = jax.nn.softmax(-jnp.exp(b) * gene_expressions, axis=-1)  # [B, N, G]
    # Immunogenicity: embedding lookup of current genes into learned table, then sigmoid
    ig = jax.nn.sigmoid(jnp.take(ig_table, current_genes, axis=0))  # [G]
    # All current genes exist in the vocab, so filtered == current and gene_indices == arange(G)
    z = jnp.einsum("bng,g->bn", ge, ig)  # [B, N]
    bag = jnp.sum(d * z[..., None], axis=1)  # [B, 1]
    out = jax.nn.sigmoid(jnp.exp(alpha) * bag + beta)  # [B, 1]
    return out.squeeze(-1)  # [B]

if __name__ == "__main__":
    import jax
    _d = setup_inputs()
    print(jax.jit(kernel)(*tuple(_d.values())))

</pallas_src>

<mosaic_0001>
#map = affine_map<(d0, d1) -> (0)>
module attributes {stable_mosaic.version = 14 : i64} {
  func.func @_ig_sc_kernel(%arg0: i32, %arg1: i32, %arg2: memref<4096xi32, #tpu.memory_space<hbm>>, %arg3: memref<128xf32, #tpu.memory_space<hbm>>, %arg4: memref<4096xf32, #tpu.memory_space<hbm>>, %arg5: memref<128xi32, #tpu.memory_space<vmem>>, %arg6: memref<128xf32, #tpu.memory_space<vmem>>, %arg7: memref<!tpu.dma_semaphore, #tpu.memory_space<semaphore_mem>>) attributes {dimension_semantics = [#tpu.dimension_semantics<core_parallel>, #tpu.dimension_semantics<subcore_parallel>], iteration_bounds = array<i64: 2, 16>, scalar_prefetch = 0 : i64, scratch_operands = 3 : i64, tpu.core_type = #tpu.core_type<sc_vector_subcore>, window_params = [{transform_indices = #map}, {transform_indices = #map}, {transform_indices = #map}]} {
    %mul3A = arith.constant 2 : i32
    %mul3A_0 = arith.muli %arg1, %mul3A : i32
    %add3A = arith.addi %mul3A_0, %arg0 : i32
    %mul3A_1 = arith.constant 128 : i32
    %mul3A_2 = arith.muli %add3A, %mul3A_1 : i32
    "tpu.region"() ({
      %run_scoped3A = tpu.sem_alloc : memref<!tpu.dma_semaphore, #tpu.memory_space<semaphore_mem>>
      %dma_start3A = tpu.memref_slice %arg2[%mul3A_2] : memref<4096xi32, #tpu.memory_space<hbm>> -> memref<128xi32, #tpu.memory_space<hbm>>
      %dma_start3A_3 = tpu.memref_slice %arg2[%mul3A_2] : memref<4096xi32, #tpu.memory_space<hbm>> -> memref<128xi32, #tpu.memory_space<hbm>>
      tpu.enqueue_dma source(%dma_start3A_3 : memref<128xi32, #tpu.memory_space<hbm>>) target(%arg5 : memref<128xi32, #tpu.memory_space<vmem>>) target_semaphore(%run_scoped3A : memref<!tpu.dma_semaphore, #tpu.memory_space<semaphore_mem>>)
      %dma_wait3A = tpu.memref_slice %arg2[%mul3A_2] : memref<4096xi32, #tpu.memory_space<hbm>> -> memref<128xi32, #tpu.memory_space<hbm>>
      %dma_wait3A_4 = tpu.memref_slice %arg2[%mul3A_2] : memref<4096xi32, #tpu.memory_space<hbm>> -> memref<128xi32, #tpu.memory_space<hbm>>
      tpu.wait_dma2 semaphore(%run_scoped3A : memref<!tpu.dma_semaphore, #tpu.memory_space<semaphore_mem>>) src(%dma_wait3A_4 : memref<128xi32, #tpu.memory_space<hbm>>) dst(%arg5 : memref<128xi32, #tpu.memory_space<vmem>>)
      tpu.yield
    }) : () -> ()
    "tpu.region"() ({
      %run_scoped3A = tpu.sem_alloc : memref<!tpu.dma_semaphore, #tpu.memory_space<semaphore_mem>>
      %dma_start3A = tpu.memref_slice %arg4[%mul3A_2] : memref<4096xf32, #tpu.memory_space<hbm>> -> memref<128xf32, #tpu.memory_space<hbm>>
      %dma_start3A_3 = tpu.memref_slice %arg4[%mul3A_2] : memref<4096xf32, #tpu.memory_space<hbm>> -> memref<128xf32, #tpu.memory_space<hbm>>
      tpu.enqueue_dma source(%arg6 : memref<128xf32, #tpu.memory_space<vmem>>) target(%dma_start3A_3 : memref<128xf32, #tpu.memory_space<hbm>>) target_semaphore(%run_scoped3A : memref<!tpu.dma_semaphore, #tpu.memory_space<semaphore_mem>>)
      %dma_wait3A = tpu.memref_slice %arg4[%mul3A_2] : memref<4096xf32, #tpu.memory_space<hbm>> -> memref<128xf32, #tpu.memory_space<hbm>>
      %dma_wait3A_4 = tpu.memref_slice %arg4[%mul3A_2] : memref<4096xf32, #tpu.memory_space<hbm>> -> memref<128xf32, #tpu.memory_space<hbm>>
      tpu.wait_dma2 semaphore(%run_scoped3A : memref<!tpu.dma_semaphore, #tpu.memory_space<semaphore_mem>>) src(%arg6 : memref<128xf32, #tpu.memory_space<vmem>>) dst(%dma_wait3A_4 : memref<128xf32, #tpu.memory_space<hbm>>)
      tpu.yield
    }) : () -> ()
    return
  }
}

module attributes {stable_mosaic.version = 14 : i64} {
  func.func @_mil_tc_kernel(%arg0: i32, %arg1: memref<1x1x256xf32, #tpu.memory_space<vmem>>, %arg2: memref<1x256x1xf32, #tpu.memory_space<vmem>>, %arg3: memref<1x256x4096xf32, #tpu.memory_space<vmem>>, %arg4: memref<1x4096xf32, #tpu.memory_space<vmem>>, %arg5: memref<1x4xf32, #tpu.memory_space<vmem>>, %arg6: memref<1x1x1xf32, #tpu.memory_space<vmem>>) attributes {dimension_semantics = [#tpu.dimension_semantics<arbitrary>], iteration_bounds = array<i64: 16>, scalar_prefetch = 0 : i64, scratch_operands = 0 : i64, tpu.core_type = #tpu.core_type<tc>, window_params = [{transform_indices = @transform_0, window_bounds = array<i64: 1, 1, 256>}, {transform_indices = @transform_1, window_bounds = array<i64: 1, 256, 1>}, {transform_indices = @transform_2, window_bounds = array<i64: 1, 256, 4096>}, {pipeline_mode = #tpu.pipeline_mode<synchronous>, transform_indices = @transform_3, window_bounds = array<i64: 1, 4096>}, {pipeline_mode = #tpu.pipeline_mode<synchronous>, transform_indices = @transform_4, window_bounds = array<i64: 1, 4>}, {transform_indices = @transform_5, window_bounds = array<i64: 1, 1, 1>}]} {
    %get3A = arith.constant 0 : index
    %get3A_0 = arith.constant 0 : index
    %get3A_1 = vector.load %arg5[%get3A, %get3A_0] : memref<1x4xf32, #tpu.memory_space<vmem>>, vector<1x4xf32>
    %slice3A = vector.extract_strided_slice %get3A_1 {offsets = [0, 0], sizes = [1, 1], strides = [1, 1]} : vector<1x4xf32> to vector<1x1xf32>
    %squeeze3A = vector.extract %slice3A[0, 0] : f32 from vector<1x1xf32>
    %exp3A = math.exp %squeeze3A : f32
    %slice3A_2 = vector.extract_strided_slice %get3A_1 {offsets = [0, 1], sizes = [1, 1], strides = [1, 1]} : vector<1x4xf32> to vector<1x1xf32>
    %squeeze3A_3 = vector.extract %slice3A_2[0, 0] : f32 from vector<1x1xf32>
    %exp3A_4 = math.exp %squeeze3A_3 : f32
    %slice3A_5 = vector.extract_strided_slice %get3A_1 {offsets = [0, 2], sizes = [1, 1], strides = [1, 1]} : vector<1x4xf32> to vector<1x1xf32>
    %squeeze3A_6 = vector.extract %slice3A_5[0, 0] : f32 from vector<1x1xf32>
    %exp3A_7 = math.exp %squeeze3A_6 : f32
    %slice3A_8 = vector.extract_strided_slice %get3A_1 {offsets = [0, 3], sizes = [1, 1], strides = [1, 1]} : vector<1x4xf32> to vector<1x1xf32>
    %squeeze3A_9 = vector.extract %slice3A_8[0, 0] : f32 from vector<1x1xf32>
    %neg3A = arith.constant 0.000000e+00 : f32
    %neg3A_10 = arith.subf %neg3A, %exp3A_4 : f32
    %get3A_11 = arith.constant 0 : index
    %get3A_12 = arith.constant 0 : index
    %get3A_13 = arith.constant 0 : index
    %get3A_14 = vector.load %arg3[%get3A_11, %get3A_12, %get3A_13] : memref<1x256x4096xf32, #tpu.memory_space<vmem>>, vector<1x256x4096xf32>
    %get3A_15 = vector.shape_cast %get3A_14 : vector<1x256x4096xf32> to vector<256x4096xf32>
    %mul3A = vector.broadcast %neg3A_10 : f32 to vector<256x4096xf32>
    %mul3A_16 = arith.mulf %mul3A, %get3A_15 : vector<256x4096xf32>
    %exp3A_17 = math.exp %mul3A_16 : vector<256x4096xf32>
    %reduce_sum3A = arith.constant dense<0.000000e+00> : vector<256xf32>
    %reduce_sum3A_18 = vector.multi_reduction <add>, %exp3A_17, %reduce_sum3A [1] : vector<256x4096xf32> to vector<256xf32>
    %broadcast_in_dim3A = vector.shape_cast %reduce_sum3A_18 : vector<256xf32> to vector<256x1xf32>
    %get3A_19 = arith.constant 0 : index
    %get3A_20 = arith.constant 0 : index
    %get3A_21 = vector.load %arg4[%get3A_19, %get3A_20] : memref<1x4096xf32, #tpu.memory_space<vmem>>, vector<1x4096xf32>
    %mul3A_22 = vector.broadcast %get3A_21 : vector<1x4096xf32> to vector<256x4096xf32>
    %mul3A_23 = arith.mulf %exp3A_17, %mul3A_22 : vector<256x4096xf32>
    %reduce_sum3A_24 = arith.constant dense<0.000000e+00> : vector<256xf32>
    %reduce_sum3A_25 = vector.multi_reduction <add>, %mul3A_23, %reduce_sum3A_24 [1] : vector<256x4096xf32> to vector<256xf32>
    %broadcast_in_dim3A_26 = vector.shape_cast %reduce_sum3A_25 : vector<256xf32> to vector<256x1xf32>
    %div3A = arith.divf %broadcast_in_dim3A_26, %broadcast_in_dim3A : vector<256x1xf32>
    %neg3A_27 = arith.constant 0.000000e+00 : f32
    %neg3A_28 = arith.subf %neg3A_27, %exp3A : f32
    %get3A_29 = arith.constant 0 : index
    %get3A_30 = arith.constant 0 : index
    %get3A_31 = arith.constant 0 : index
    %get3A_32 = vector.load %arg1[%get3A_29, %get3A_30, %get3A_31] : memref<1x1x256xf32, #tpu.memory_space<vmem>>, vector<1x1x256xf32>
    %get3A_33 = vector.shape_cast %get3A_32 : vector<1x1x256xf32> to vector<1x256xf32>
    %mul3A_34 = vector.broadcast %neg3A_28 : f32 to vector<1x256xf32>
    %mul3A_35 = arith.mulf %mul3A_34, %get3A_33 : vector<1x256xf32>
    %neg3A_36 = arith.constant 0.000000e+00 : f32
    %neg3A_37 = arith.subf %neg3A_36, %exp3A : f32
    %get3A_38 = arith.constant 0 : index
    %get3A_39 = arith.constant 0 : index
    %get3A_40 = arith.constant 0 : index
    %get3A_41 = vector.load %arg2[%get3A_38, %get3A_39, %get3A_40] : memref<1x256x1xf32, #tpu.memory_space<vmem>>, vector<1x256x1xf32>
    %get3A_42 = vector.shape_cast %get3A_41 : vector<1x256x1xf32> to vector<256x1xf32>
    %mul3A_43 = vector.broadcast %neg3A_37 : f32 to vector<256x1xf32>
    %mul3A_44 = arith.mulf %mul3A_43, %get3A_42 : vector<256x1xf32>
    %broadcast_in_dim3A_45 = vector.shape_cast %mul3A_35 : vector<1x256xf32> to vector<1x256xf32>
    %broadcast_in_dim3A_46 = vector.broadcast %broadcast_in_dim3A_45 : vector<1x256xf32> to vector<256x256xf32>
    %ge3A = vector.broadcast %mul3A_44 : vector<256x1xf32> to vector<256x256xf32>
    %ge3A_47 = arith.cmpf oge, %broadcast_in_dim3A_46, %ge3A : vector<256x256xf32>
    %convert_element_type3A = arith.extui %ge3A_47 : vector<256x256xi1> to vector<256x256xi32>
    %convert_element_type3A_48 = arith.sitofp %convert_element_type3A : vector<256x256xi32> to vector<256x256xf32>
    %reduce_sum3A_49 = arith.constant dense<0.000000e+00> : vector<256xf32>
    %reduce_sum3A_50 = vector.multi_reduction <add>, %convert_element_type3A_48, %reduce_sum3A_49 [1] : vector<256x256xf32> to vector<256xf32>
    %broadcast_in_dim3A_51 = vector.shape_cast %reduce_sum3A_50 : vector<256xf32> to vector<256x1xf32>
    %mul3A_52 = arith.mulf %convert_element_type3A_48, %broadcast_in_dim3A_46 : vector<256x256xf32>
    %reduce_sum3A_53 = arith.constant dense<0.000000e+00> : vector<256xf32>
    %reduce_sum3A_54 = vector.multi_reduction <add>, %mul3A_52, %reduce_sum3A_53 [1] : vector<256x256xf32> to vector<256xf32>
    %broadcast_in_dim3A_55 = vector.shape_cast %reduce_sum3A_54 : vector<256xf32> to vector<256x1xf32>
    %mul3A_56 = arith.mulf %broadcast_in_dim3A_51, %mul3A_44 : vector<256x1xf32>
    %sub3A = arith.constant 1.000000e+00 : f32
    %sub3A_57 = vector.broadcast %sub3A : f32 to vector<256x1xf32>
    %sub3A_58 = arith.subf %broadcast_in_dim3A_55, %sub3A_57 : vector<256x1xf32>
    %gt3A = arith.cmpf ogt, %mul3A_56, %sub3A_58 : vector<256x1xf32>
    %jit3A = arith.constant 0.000000e+00 : f32
    %broadcast_in_dim3A_59 = vector.broadcast %jit3A : f32 to vector<256x1xf32>
    %select_n3A = arith.select %gt3A, %broadcast_in_dim3A_51, %broadcast_in_dim3A_59 : vector<256x1xi1>, vector<256x1xf32>
    %reduce_max3A = vector.shape_cast %select_n3A : vector<256x1xf32> to vector<1x256x1xf32>
    %reduce_max3A_60 = arith.constant dense<0xFF800000> : vector<1xf32>
    %reduce_max3A_61 = vector.multi_reduction <maximumf>, %reduce_max3A, %reduce_max3A_60 [1, 2] : vector<1x256x1xf32> to vector<1xf32>
    %reduce_max3A_62 = vector.shape_cast %reduce_max3A_61 : vector<1xf32> to vector<1x1x1xf32>
    %reduce_max3A_63 = vector.extract %reduce_max3A_62[0, 0, 0] : f32 from vector<1x1x1xf32>
    %ge3A_64 = vector.broadcast %reduce_max3A_63 : f32 to vector<256x1xf32>
    %ge3A_65 = arith.cmpf oge, %broadcast_in_dim3A_51, %ge3A_64 : vector<256x1xf32>
    %and3A = arith.andi %gt3A, %ge3A_65 : vector<256x1xi1>
    %jit3A_66 = arith.constant 0xFF800000 : f32
    %broadcast_in_dim3A_67 = vector.broadcast %jit3A_66 : f32 to vector<256x1xf32>
    %select_n3A_68 = arith.select %and3A, %broadcast_in_dim3A_55, %broadcast_in_dim3A_67 : vector<256x1xi1>, vector<256x1xf32>
    %reduce_max3A_69 = vector.shape_cast %select_n3A_68 : vector<256x1xf32> to vector<1x256x1xf32>
    %reduce_max3A_70 = arith.constant dense<0xFF800000> : vector<1xf32>
    %reduce_max3A_71 = vector.multi_reduction <maximumf>, %reduce_max3A_69, %reduce_max3A_70 [1, 2] : vector<1x256x1xf32> to vector<1xf32>
    %reduce_max3A_72 = vector.shape_cast %reduce_max3A_71 : vector<1xf32> to vector<1x1x1xf32>
    %reduce_max3A_73 = vector.extract %reduce_max3A_72[0, 0, 0] : f32 from vector<1x1x1xf32>
    %sub3A_74 = arith.constant 1.000000e+00 : f32
    %sub3A_75 = arith.subf %reduce_max3A_73, %sub3A_74 : f32
    %div3A_76 = arith.divf %sub3A_75, %reduce_max3A_63 : f32
    %sub3A_77 = vector.broadcast %div3A_76 : f32 to vector<256x1xf32>
    %sub3A_78 = arith.subf %mul3A_44, %sub3A_77 : vector<256x1xf32>
    %max3A = arith.constant 0.000000e+00 : f32
    %max3A_79 = vector.broadcast %max3A : f32 to vector<256x1xf32>
    %max3A_80 = arith.maximumf %sub3A_78, %max3A_79 : vector<256x1xf32>
    %mul3A_81 = arith.mulf %max3A_80, %div3A : vector<256x1xf32>
    %reduce_sum3A_82 = vector.shape_cast %mul3A_81 : vector<256x1xf32> to vector<1x256x1xf32>
    %reduce_sum3A_83 = arith.constant dense<0.000000e+00> : vector<1xf32>
    %reduce_sum3A_84 = vector.multi_reduction <add>, %reduce_sum3A_82, %reduce_sum3A_83 [1, 2] : vector<1x256x1xf32> to vector<1xf32>
    %reduce_sum3A_85 = vector.shape_cast %reduce_sum3A_84 : vector<1xf32> to vector<1x1x1xf32>
    %reduce_sum3A_86 = vector.extract %reduce_sum3A_85[0, 0, 0] : f32 from vector<1x1x1xf32>
    %mul3A_87 = arith.mulf %exp3A_7, %reduce_sum3A_86 : f32
    %add3A = arith.addf %mul3A_87, %squeeze3A_9 : f32
    %logistic3A = arith.negf %add3A : f32
    %logistic3A_88 = math.exp %logistic3A : f32
    %logistic3A_89 = arith.constant 1.000000e+00 : f32
    %logistic3A_90 = arith.addf %logistic3A_89, %logistic3A_88 : f32
    %logistic3A_91 = arith.divf %logistic3A_89, %logistic3A_90 : f32
    %broadcast_in_dim3A_92 = vector.broadcast %logistic3A_91 : f32 to vector<1x1x1xf32>
    %swap3A = arith.constant 0 : index
    %swap3A_93 = arith.constant 0 : index
    %swap3A_94 = arith.constant 0 : index
    %swap3A_95 = vector.load %arg6[%swap3A, %swap3A_93, %swap3A_94] : memref<1x1x1xf32, #tpu.memory_space<vmem>>, vector<1x1x1xf32>
    tpu.vector_store %arg6[%swap3A, %swap3A_93, %swap3A_94], %broadcast_in_dim3A_92 {strides = array<i32>} : memref<1x1x1xf32, #tpu.memory_space<vmem>>, vector<1x1x1xf32>,
    return
  }
  func.func @transform_0(%arg0: i32) -> (i32, i32, i32) {
    %c0_i32 = arith.constant 0 : i32
    %c0_i32_0 = arith.constant 0 : i32
    %c0_i32_1 = arith.constant 0 : i32
    return %arg0, %c0_i32, %c0_i32_0 : i32, i32, i32
  }
  func.func @transform_1(%arg0: i32) -> (i32, i32, i32) {
    %c0_i32 = arith.constant 0 : i32
    %c0_i32_0 = arith.constant 0 : i32
    %c0_i32_1 = arith.constant 0 : i32
    return %arg0, %c0_i32, %c0_i32_0 : i32, i32, i32
  }
  func.func @transform_2(%arg0: i32) -> (i32, i32, i32) {
    %c0_i32 = arith.constant 0 : i32
    %c0_i32_0 = arith.constant 0 : i32
    %c0_i32_1 = arith.constant 0 : i32
    return %arg0, %c0_i32, %c0_i32_0 : i32, i32, i32
  }
  func.func @transform_3(%arg0: i32) -> (i32, i32) {
    %c0_i32 = arith.constant 0 : i32
    %c0_i32_0 = arith.constant 0 : i32
    %c0_i32_1 = arith.constant 0 : i32
    return %c0_i32, %c0_i32_0 : i32, i32
  }
  func.func @transform_4(%arg0: i32) -> (i32, i32) {
    %c0_i32 = arith.constant 0 : i32
    %c0_i32_0 = arith.constant 0 : i32
    %c0_i32_1 = arith.constant 0 : i32
    return %c0_i32, %c0_i32_0 : i32, i32
  }
  func.func @transform_5(%arg0: i32) -> (i32, i32, i32) {
    %c0_i32 = arith.constant 0 : i32
    %c0_i32_0 = arith.constant 0 : i32
    %c0_i32_1 = arith.constant 0 : i32
    return %arg0, %c0_i32, %c0_i32_0 : i32, i32, i32
  }
}

</mosaic_0001>

<sc_bundles>
// kernel: kernel.4.cloned.1.call-start
scs
__scs_entry_jumppad:
0x0: {  	(pc) =	sbr.rel $0x88, $3  }
0x1: {  	(tag) =	ssettag $0x0;
	lr =	simm.s32 $0x1  }
0x2: {  	[smem:$0x3F99] =	sst lr;
	_ =	strace $0xD0000000  }
0x3: {  	_ = 	snop  }
0x4: {  	_ = 	snop  }
0x5: {  	_ = 	snop  }
0x6: {  	_ = 	snop  }
0x7: {  	_ = 	snop  }
__scs_overlays_trampoline_lowered:
0x8: {  	[smem:$0x3FA8] =	sst s0  }
0x9: {  	[smem:$0x3FA9] =	sst s1  }
0xa: {  	[smem:$0x3FAA] =	sst s2  }
0xb: {  	[smem:$0x3FAB] =	sst s3  }
0xc: {  	[smem:$0x3FAC] =	sst s4  }
0xd: {  	[smem:$0x3FAD] =	sst s5  }
0xe: {  	[smem:$0x3FAE] =	sst s6  }
0xf: {  	[smem:$0x3FAF] =	sst s7  }
0x10: {  	[smem:$0x3FB0] =	sst s8  }
0x11: {  	[smem:$0x3FB1] =	sst s9;
	s0 =	simm.s32 @!p0 $0x0  }
0x12: {  	s1 =	sld [smem:$0x3F97];
	s0 =	simm.s32 @p0 $0x1  }
0x13: {  	[smem:$0x3FB2] =	sst s0;
	s0 =	simm.s32 @!p1 $0x0  }
0x14: {  	s2 =	sld [smem:$0x3F96];
	s0 =	simm.s32 @p1 $0x1  }
0x15: {  	[smem:$0x3FB3] =	sst s0;
	s0 =	simm.s32 @!p2 $0x0  }
0x16: {  	s3 =	sld [smem:$0x3FDB];
	s0 =	simm.s32 @p2 $0x1  }
0x17: {  	s4 =	simm.s32 $0x1BF5;
	[smem:$0x3FB5] =	sst s0  }
0x18: {  	s0 =	sld [smem:$0x3F98];
	_ =	swait.ge [sflag:s4], $0x0  }
0x19: {  	s7 =	sld [smem:$0x3F99]  }
0x1a: {  	s8 =	sadd.s32 $0xFFFFE003, lr  }
0x1b: {  	s9 =	sadd.s32 $0xFFFFFEF7, lr;
	s5 =	simm.s32 $0xFFFFFFFF;
	p2 =	slt.u32 s8, $0xFFFFF086  }
0x1c: {  	p1 =	slt.u32 s9, $0xF7A;
	s5 =	simm.s32 @!p2 $0x0  }
0x1d: {  	s5 =	simm.s32 @p1 $0x1;
	p0 =	seq.s32 s7, s2  }
0x1e: {  	s7 =	smul.u32 @!p0 $0xF7A, s2;
	p2 =	seq.s32 @!p0 s5, $0x0  }
0x1f: {  	s9 =	smul.u32 $0xF7A, s1;
	s8 =	simm.s32 @!p0 $0x1BF5;
	p2 =	por !p2, p0  }
0x20: {  	[sflag:s8] =	ssyncset.s32 @!p0 $0xFFFFF086;
	s6 =	sadd.s32 @!p0 s3, s7;
	s7 =	simm.s32 @!p0 $0x108  }
0x21: {  	s3 =	sadd.s32 s3, s9;
	s6 =	sadd.s32 @!p0 $0x88, s6;
	s7 =	simm.s32 @p2 $0x1082  }
0x22: {  	[simem:s7], [sflag:s8] =	dma.local @!p0 [hbm:s6], $0xF7A  }
0x23: {  	s9 =	sor.u32 $0xD0000000, s2;
	s6 =	simm.s32 $0x108;
	_ =	swait.ge @!p0 [sflag:s8], $0x0  }
0x24: {  	s3 =	sadd.s32 $0x88, s3;
	s6 =	simm.s32 @!p1 $0x1082;
	[sflag:s4] =	ssyncset.s32 $0xFFFFF086  }
0x25: {  	[simem:s6], [sflag:s4] =	dma.local [hbm:s3], $0xF7A  }
0x26: {  	[smem:$0x3F99] =	sst s1;
	(tag) =	ssettag s2;
	_ =	strace s9  }
0x27: {  	s1 =	sld [smem:$0x3FA9]  }
0x28: {  	s2 =	sld [smem:$0x3FAA]  }
0x29: {  	s4 =	sld [smem:$0x3FAC]  }
0x2a: {  	p0 =	seq.s32 s5, $0x0;
	s5 =	sld [smem:$0x3FAD]  }
0x2b: {  	s6 =	sld [smem:$0x3FAE]  }
0x2c: {  	s7 =	sld [smem:$0x3FAF]  }
0x2d: {  	s3 =	simm.s32 $0x108;
	s8 =	sld [smem:$0x3FB0]  }
0x2e: {  	s3 =	simm.s32 @!p0 $0x1082;
	s9 =	sld [smem:$0x3FB1]  }
0x2f: {  	lr =	sadd.s32 s0, s3;
	s0 =	sld [smem:$0x3FA8]  }
0x30: {  	s3 =	sld [smem:$0x3FAB]  }
0x31: {  	[smem:$0x3FB4] =	sst s10  }
0x32: {  	s10 =	sld [smem:$0x3FB2];
	_ =	sdelay $0x3  }
0x33: {  	p0 =	seq.s32 s10, $0x1;
	s10 =	sld [smem:$0x3FB4];
	_ =	sdelay $0x3  }
0x34: {  	[smem:$0x3FB4] =	sst s10  }
0x35: {  	s10 =	sld [smem:$0x3FB3];
	_ =	sdelay $0x3  }
0x36: {  	p1 =	seq.s32 s10, $0x1;
	s10 =	sld [smem:$0x3FB4];
	_ =	sdelay $0x3  }
0x37: {  	[smem:$0x3FB4] =	sst s10  }
0x38: {  	s10 =	sld [smem:$0x3FB5]  }
0x39: {  	_ = 	snop;
	(pc) =	sbr.ind lr, $3  }
0x3a: {  	_ = 	snop  }
0x3b: {  	_ = 	snop  }
0x3c: {  	p2 =	seq.s32 s10, $0x1;
	s10 =	sld [smem:$0x3FB4]  }
0x3d: {  	_ =	shalt  }
0x3e: {  	_ =	shalt  }
0x3f: {  	_ =	shalt  }
0x40: {  	_ =	shalt  }
0x41: {  	_ =	shalt  }
0x42: {  	_ =	shalt  }
0x43: {  	_ =	shalt  }
0x44: {  	_ =	shalt  }
0x45: {  	_ =	shalt  }
0x46: {  	_ =	shalt  }
0x47: {  	_ =	shalt  }
0x48: {  	_ =	shalt  }
0x49: {  	_ =	shalt  }
0x4a: {  	_ =	shalt  }
0x4b: {  	_ =	shalt  }
0x4c: {  	_ =	shalt  }
0x4d: {  	_ =	shalt  }
0x4e: {  	_ =	shalt  }
0x4f: {  	_ =	shalt  }
0x50: {  	_ =	shalt  }
0x51: {  	_ =	shalt  }
0x52: {  	_ =	shalt  }
0x53: {  	_ =	shalt  }
0x54: {  	_ =	shalt  }
0x55: {  	_ =	shalt  }
0x56: {  	_ =	shalt  }
0x57: {  	_ =	shalt  }
0x58: {  	_ =	shalt  }
0x59: {  	_ =	shalt  }
0x5a: {  	_ =	shalt  }
0x5b: {  	_ =	shalt  }
0x5c: {  	_ =	shalt  }
0x5d: {  	_ =	shalt  }
0x5e: {  	_ =	shalt  }
0x5f: {  	_ =	shalt  }
0x60: {  	_ =	shalt  }
0x61: {  	_ =	shalt  }
0x62: {  	_ =	shalt  }
0x63: {  	_ =	shalt  }
0x64: {  	_ =	shalt  }
0x65: {  	_ =	shalt  }
0x66: {  	_ =	shalt  }
0x67: {  	_ =	shalt  }
0x68: {  	_ =	shalt  }
0x69: {  	_ =	shalt  }
0x6a: {  	_ =	shalt  }
0x6b: {  	_ =	shalt  }
0x6c: {  	_ =	shalt  }
0x6d: {  	_ =	shalt  }
0x6e: {  	_ =	shalt  }
0x6f: {  	_ =	shalt  }
0x70: {  	_ =	shalt  }
0x71: {  	_ =	shalt  }
0x72: {  	_ =	shalt  }
0x73: {  	_ =	shalt  }
0x74: {  	_ =	shalt  }
0x75: {  	_ =	shalt  }
0x76: {  	_ =	shalt  }
0x77: {  	_ =	shalt  }
0x78: {  	_ =	shalt  }
0x79: {  	_ =	shalt  }
0x7a: {  	_ =	shalt  }
0x7b: {  	_ =	shalt  }
0x7c: {  	_ =	shalt  }
0x7d: {  	_ =	shalt  }
0x7e: {  	_ =	shalt  }
0x7f: {  	_ =	shalt  }
0x80: {  	_ =	shalt  }
0x81: {  	_ =	shalt  }
0x82: {  	_ =	shalt  }
0x83: {  	_ =	shalt  }
0x84: {  	_ =	shalt  }
0x85: {  	_ =	shalt  }
0x86: {  	_ =	shalt  }
0x87: {  	_ =	shalt  }
.Lfunc_end0:
.L_simem_size_0:
called_computation_lowered:
.L_overlay_start_0:
0x88: {  	s2 =	sld [smem:$0x3FD9]  }
0x89: {  	s3 =	sld [smem:$0x3FFE];
	_ =	sdelay $0x1  }
0x8a: {  	s1 =	srdreg.scid  }
0x8b: {  	s0 =	sand.u32 $0x1, s1  }
0x8c: {  	s17 =	sshll.u32 s0, $0xA;
	s2 =	sadd.s32 s3, s2  }
0x8d: {  	s2 =	sadd.s32 s2, s17  }
0x8e: {  	[smem:$0x3FC0] =	sst s2  }
0x8f: {  	_ = 	snop  }
0x90: {  	s2 =	sld [smem:$0x3FC7];
	(tm) =	ssettm $0x1  }
0x91: {  	s18 =	sld [smem:$0x3FFB];
	_ =	sdelay $0x3  }
0x92: {  	_ =	strace s18  }
0x93: {  	s3 =	sld [smem:$0x3FFC];
	_ =	sdelay $0x3  }
0x94: {  	_ =	strace s3  }
0x95: {  	s3 =	sld [smem:$0x3FFD];
	_ =	sdelay $0x3  }
0x96: {  	_ =	strace s3  }
0x97: {  	_ =	strace $0x8FFFFFFF  }
0x98: {  	s19 =	sld [smem:$0x3FDB];
	_ =	sdelay $0x1  }
0x99: {  	s4 =	simm.s32 $_scs_section_size  }
0x9a: {  	s5 =	simm.s32 $_size__tile_overlayer_lowered;
	s6 =	simm.s32 $_tile_overlayer_lowered  }
0x9b: {  	s22 =	simm.s32 $0x1BFF;
	s21 =	sshll.u32 s6, $0x1;
	s3 =	sadd.s32 s4, s19  }
0x9c: {  	s7 =	simm.s32 $0x0;
	s20 =	sshll.u32 s5, $0x1;
	s5 =	sadd.s32 s21, s3  }
0x9d: {  	[timem:s7], [sflag:s22] =	dma.local [hbm:s5], s20  }
0x9e: {  	_ =	swait.ge [sflag:s22], s20  }
0x9f: {  	s4 =	ssub.s32 $0x0, s20;
	[sflag:s22] =	ssyncset.done $0x0  }
0xa0: {  	[sflag:s22] =	ssyncadd.s32 s4;
	_ =	sdelay $0x1  }
0xa1: {  	s23 =	simm.s32 $0x1B8B  }
0xa2: {  	_ =	swait.ge [sflag:s23], $0x1  }
0xa3: {  	[sflag:s23] =	ssyncset.done $0x0  }
0xa4: {  	s25 =	simm.s32 $0x1B8E;
	s24 =	sld [smem:$0x3FFE];
	[sflag:s23] =	ssyncadd.s32 $0xFFFFFFFF  }
0xa5: {  	s26 =	simm.s32 $execute0_lowered;
	[smem:$0x3FD2] =	sst s25  }
0xa6: {  	s5 =	sshll.u32 s26, $0x1;
	_ =	strace $0x80000046;
	[dreg:$0x1] =	wrdreg $0xFFFFFFFF  }
0xa7: {  	s28 =	simm.s32 $_size_execute0_lowered;
	s3 =	sadd.s32 s3, s5;
	[dreg:$0x0] =	wrdreg $0x0  }
0xa8: {  	s5 =	sshll.u32 s28, $0x1;
	[dreg:$0x2] =	wrdreg s3  }
0xa9: {  	[dreg:$0x3] =	wrdreg s5  }
0xaa: {  	[dreg:$0x4] =	wrdreg $0xC0  }
0xab: {  	_ =	task [dreg:s7], $0x5FFFF  }
0xac: {  	[dreg:$0x1] =	wrdreg $0xFFFFFFFF  }
0xad: {  	[dreg:$0x0] =	wrdreg $0x60  }
0xae: {  	[dreg:$0x2] =	wrdreg s2  }
0xaf: {  	[dreg:$0x3] =	wrdreg s24  }
0xb0: {  	[dreg:$0x4] =	wrdreg $0x9  }
0xb1: {  	_ =	task.clear_ibuf [dreg:s7], $0x5FFFF;
	_ =	strace $0x90000046  }
0xb2: {  	s29 =	simm.s32 $0x9;
	_ =	strace $0x80000048  }
0xb3: {  	_ =	swait.ge [sflag:s29], $0x1  }
0xb4: {  	[sflag:s29] =	ssyncadd.s32 $0xFFFFFFFF  }
0xb5: {  	_ =	strace $0x90000048  }
0xb6: {  	_ =	sfence  }
0xb7: {  	s30 =	sld [smem:$0x0];
	_ =	sdelay $0x2  }
0xb8: {  	s31 =	sshll.u32 s1, $0xD;
	s1 =	sshrl.u32 s1, $0x2  }
0xb9: {  	s3 =	sand.u32 $0x4000, s31;
	s1 =	sadd.s32 s1, s30  }
0xba: {  	s0 =	sor.u32 s3, s0;
	s1 =	sshll.u32 s1, $0x11  }
0xbb: {  	s0 =	sor.u32 s1, s0  }
0xbc: {  	s0 =	sadd.s32 $0x8F2B, s0  }
0xbd: {  	[sflag:s0] =	ssyncadd.remote.s32 $0x1  }
0xbe: {  	_ =	sfence.sel $0xFFFF  }
0xbf: {  	[dreg:$0x0] =	wrdreg $0xFFFFFFFF;
	(pc) =	sbr.abs _section_cstart, $3  }
0xc0: {  	[dreg:$0x1] =	wrdreg $0xFFFFFFFF  }
0xc1: {  	_ =	task.clear_ibuf [dreg:s7], $0x2FFFF;
	_ =	strace $0x9FFFFFFF  }
0xc2: {  	(tm) =	ssettm $0x7FFFFFFF  }
0xc3: {  	_ =	shalt  }
tec
execute0_lowered:
.L_overlay_start_1:
0x0: {  	(tag) =	ssettag $0x1  }
0x1: {  	s3 =	rddreg [dreg:$0x0]  }
0x2: {  	s5 =	rddreg [dreg:$0x1]  }
0x3: {  	s0 =	rddreg [dreg:$0x2];
	s4 =	srdreg.scid;
	s2 =	simm.s32 $0x0  }
0x4: {  	s1 =	stileid.u32;
	s4 =	sand.u32 $0x1, s4;
	[smem:$0x7FF] =	sst s2  }
0x5: {  	s6 =	sshll.u32 s1, $0x5;
	s7 =	sshll.u32 s4, $0x4;
	s30 =	ssub.s32 $0x2, s4  }
0x6: {  	_ =	strace $0x80000047;
	s6 =	sor.u32 s7, s6;
	s31 =	sshrl.u32 s30, $0x1  }
0x7: {  	s4 =	sadd.s32 s3, s6;
	s5 =	sadd.s32 s6, s5;
	s6 =	ssub.s32 s30, s31  }
0x8: {  	[tilespmem:s2], [sflag:$0x1] =	stream.linear.gather [hbm4b:s4+s2], $0x80, $0x38;
	[tilespmem:$0x100] =	vst v63  }
0x9: {  	s3 =	simm.s32 $0x1;
	s7 =	smax.u32 s6, $0x1  }
0xa: {  	_ =	swait.ge [sflag:s3], $0x80;
	p0 =	sne.s32 s7, $0x1  }
.Ltmp0:
0xb: {  	[sflag:s3] =	ssyncset.done $0x0;
	(pc) =	sbr.rel @!p0 .LBB2_2-.Ltmp0, $4  }
0xc: {  	s5 =	sadd.s32 $0x400, s5;
	s6 =	simm.s32 $0x80;
	[sflag:s3] =	ssyncadd.s32 $0xFFFFFF80  }
0xd: {  	[hbm4b:s5+s2] =	stream.linear.scatter [tilespmem:s6], [sflag:$0x1], $0x80, $0x38;
	[tilespmem:$0x100] =	vst v63  }
0xe: {  	_ =	swait.ge [sflag:s3], $0x80  }
0xf: {  	s7 =	sadd.s32 $0xFFFFFFFF, s7;
	[sflag:s3] =	ssyncset.done $0x0  }
.LBB2_1:
0x10: {  	p0 =	sne.s32 s7, $0x1;
	s7 =	sadd.s32 $0xFFFFFFFF, s7;
	[sflag:s3] =	ssyncadd.s32 $0xFFFFFF80  }
0x11: {  	[tilespmem:s2], [sflag:$0x1] =	stream.linear.gather [hbm4b:s4+s2], $0x80, $0x38;
	[tilespmem:$0x100] =	vst v63  }
0x12: {  	_ =	swait.ge [sflag:s3], $0x80  }
.Ltmp1:
0x13: {  	[sflag:s3] =	ssyncset.done $0x0;
	(pc) =	sbr.rel @p0 .LBB2_1-.Ltmp1, $4  }
0x14: {  	[sflag:s3] =	ssyncadd.s32 $0xFFFFFF80  }
0x15: {  	[hbm4b:s5+s2] =	stream.linear.scatter [tilespmem:s6], [sflag:$0x1], $0x80, $0x38;
	[tilespmem:$0x100] =	vst v63  }
0x16: {  	_ =	swait.ge [sflag:s3], $0x80  }
0x17: {  	[sflag:s3] =	ssyncset.done $0x0  }
.LBB2_2:
0x18: {  	[sflag:s3] =	ssyncadd.s32 $0xFFFFFF80  }
0x19: {  	_ =	sfence.sel $0x180000  }
0x1a: {  	[bflag:$0x0] =	sbarrier.arrive $0xFFFF  }
0x1b: {  	p0 =	sne.s32 s1, $0x0;
	_ =	strace $0x90000047  }
0x1c: {  	s0 =	sadd.s32 @!p0 $0x100000, s0;
	[bflag:$0x2] =	sbarrier.arrive $0xFFFF  }
0x1d: {  	[sflag:s0] =	ssyncadd.tile.s32 @!p0 $0x1;
	_ =	shalt  }
.Lfunc_end2:
_tile_overlayer_lowered:
.L_overlay_start_2:
0x1e: {  	(tag) =	ssettag $0x2  }
0x1f: {  	s0 =	rddreg [dreg:$0x0];
	s2 =	stileid.u32  }
0x20: {  	s1 =	rddreg [dreg:$0x1];
	p0 =	sne.s32 s2, $0x0  }
0x21: {  	s3 =	rddreg [dreg:$0x2];
	[bflag:$0x3] =	sbarrier.arrive $0xFFFF;
	s2 =	simm.s32 @!p0 $0x1C01  }
0x22: {  	[timem:s3], [sflag:s2] =	dma.local @!p0 [hbm:s0], s1  }
0x23: {  	s0 =	simm.s32 @!p0 $0x1  }
0x24: {  	_ =	swait.ge @!p0 [sflag:s0], s1  }
0x25: {  	s1 =	ssub.s32 @!p0 $0x0, s1;
	[sflag:s0] =	ssyncset.done @!p0 $0x0  }
0x26: {  	[sflag:s0] =	ssyncadd.s32 @!p0 s1  }
0x27: {  	[bflag:$0x3] =	sbarrier.arrive $0xFFFF  }
0x28: {  	_ =	shalt  }

</sc_bundles>
